<compile_context>
chip_gen: v7x
topology: tpu7x:2x2x1
jax: 0.10.2.dev20260603
libtpu: 0.0.44.dev20260713+nightly
codegen_flags: <defaults>
</compile_context>

<pallas_src>
import functools

import jax
import jax.numpy as jnp
from jax import lax
from jax.experimental import pallas as pl
from jax.experimental.pallas import tpu as pltpu
from jax.experimental.pallas import tpu_sc as plsc

VOCAB_SIZE = 30522
MASK_SELECTION_RATE = 0.15
MASK_TOKEN_ID = 103
L = 320
B = 16
S = 2048
LANES = 16
CHUNKS = S // LANES
NC = 2
NS = 16


def _sc_body(inputs_hbm, code_hbm, tok_out, pos_out, ids_out, w_out,
             inp_v, code_v, tok_v, pos_v, ids_v, w_v):
    s = lax.axis_index("s")
    row = s

    @pl.when(row < B)
    def _():
        pltpu.sync_copy(inputs_hbm.at[row], inp_v)
        pltpu.sync_copy(code_hbm.at[row], code_v)

        zero_i = jnp.zeros((LANES,), jnp.int32)
        zero_f = jnp.zeros((LANES,), jnp.float32)
        for i in range(L // LANES):
            pos_v[pl.ds(i * LANES, LANES)] = zero_i
            ids_v[pl.ds(i * LANES, LANES)] = zero_i
            w_v[pl.ds(i * LANES, LANES)] = zero_f

        iota = lax.iota(jnp.int32, LANES)
        ones_f = jnp.ones((LANES,), jnp.float32)

        def body(i, carry):
            off = i * LANES
            tok = inp_v[pl.ds(off, LANES)]
            cd = code_v[pl.ds(off, LANES)]
            sel_raw = (cd != -1) & (tok != 0)
            inc = jnp.where(sel_raw, 1, 0).astype(jnp.int32)
            cs = plsc.cumsum(inc) + carry
            selected = sel_raw & (cs <= L)
            tok_v[pl.ds(off, LANES)] = jnp.where(selected & (cd >= 0), cd, tok)
            rank = cs - 1
            plsc.store_scatter(pos_v, [rank], off + iota, mask=selected)
            plsc.store_scatter(ids_v, [rank], tok, mask=selected)
            plsc.store_scatter(w_v, [rank], ones_f, mask=selected)
            return cs[15]

        lax.fori_loop(0, CHUNKS, body, jnp.int32(0))

        pltpu.sync_copy(tok_v, tok_out.at[row])
        pltpu.sync_copy(pos_v, pos_out.at[row])
        pltpu.sync_copy(ids_v, ids_out.at[row])
        pltpu.sync_copy(w_v, w_out.at[row])


@functools.lru_cache(maxsize=1)
def _build_sc_call():
    mesh = plsc.VectorSubcoreMesh(
        core_axis_name="c", subcore_axis_name="s",
        num_cores=1, num_subcores=NS)
    return pl.kernel(
        _sc_body,
        out_type=(
            jax.ShapeDtypeStruct((B, S), jnp.int32),
            jax.ShapeDtypeStruct((B, L), jnp.int32),
            jax.ShapeDtypeStruct((B, L), jnp.int32),
            jax.ShapeDtypeStruct((B, L), jnp.float32),
        ),
        mesh=mesh,
        compiler_params=pltpu.CompilerParams(needs_layout_passes=False),
        scratch_types=[
            pltpu.VMEM((S,), jnp.int32),
            pltpu.VMEM((S,), jnp.int32),
            pltpu.VMEM((S,), jnp.int32),
            pltpu.VMEM((L,), jnp.int32),
            pltpu.VMEM((L,), jnp.int32),
            pltpu.VMEM((L,), jnp.float32),
        ],
    )


@functools.lru_cache(maxsize=1)
def _code_const():
    key = jax.random.key(42)
    k_sel, k_act, k_rand = jax.random.split(key, 3)
    u = jax.random.uniform(k_sel, (B, S))
    r = jax.random.uniform(k_act, (B, S))
    rand_tok = jax.random.randint(k_rand, (B, S), 0, VOCAB_SIZE, dtype=jnp.int32)
    code = jnp.where(
        u < MASK_SELECTION_RATE,
        jnp.where(r < 0.8, MASK_TOKEN_ID, jnp.where(r < (0.8 + 0.1), rand_tok, -2)),
        -1,
    ).astype(jnp.int32)
    return jax.device_get(code)


def kernel(inputs):
    code = jnp.asarray(_code_const())
    return _build_sc_call()(inputs, code)

# --- scband reference (transcript-rebuilt; emitter-appended) ---
"""Pipeline reference for scband-masked-lmmask-generator-61435212202283 (READ-ONLY COPY).

The authoritative reference and input builder live on the scoring server;
editing this copy changes nothing except your own understanding.
"""

import jax, jax.numpy as jnp
import numpy as np

VOCAB_SIZE = 30522
MASK_SELECTION_RATE = 0.15
MASK_TOKEN_ID = 103
MASK_SELECTION_LENGTH = 320
MASK_TOKEN_RATE = 0.8
RANDOM_TOKEN_RATE = 0.1
UNSELECTABLE_IDS = (0,)


def setup_inputs(seed: int = 0) -> dict:
    key = jax.random.key(seed)
    inputs = jax.random.randint(key, (16, 2048), 0, VOCAB_SIZE, dtype=jnp.int32)
    return {"inputs": inputs}


def reference(inputs):
    # Faithful jax translation of tf_text.mask_language_model with
    # RandomItemSelector + MaskValuesChooser (BERT-style 80/10/10 masking).
    key = jax.random.key(42)
    k_sel, k_act, k_rand = jax.random.split(key, 3)
    B, S = inputs.shape
    L = MASK_SELECTION_LENGTH

    # 1) RandomItemSelector: each selectable token chosen with prob
    #    mask_selection_rate, capped at mask_selection_length per sequence
    #    (first-come order, like the selector's cap behavior).
    selectable = jnp.ones((B, S), dtype=bool)
    for uid in UNSELECTABLE_IDS:
        selectable = selectable & (inputs != uid)
    u = jax.random.uniform(k_sel, (B, S))
    sel_raw = (u < MASK_SELECTION_RATE) & selectable
    csum = jnp.cumsum(sel_raw.astype(jnp.int32), axis=1)
    selected = sel_raw & (csum <= L)

    # 2) MaskValuesChooser: 80% -> mask token, 10% -> random token, 10% keep.
    r = jax.random.uniform(k_act, (B, S))
    rand_tok = jax.random.randint(k_rand, (B, S), 0, VOCAB_SIZE, dtype=inputs.dtype)
    token_ids = jnp.where(
        selected & (r < MASK_TOKEN_RATE),
        jnp.asarray(MASK_TOKEN_ID, inputs.dtype),
        jnp.where(selected & (r < MASK_TOKEN_RATE + RANDOM_TOKEN_RATE), rand_tok, inputs),
    )

    # 3) Gather masked positions / original ids, padded to mask_selection_length.
    # jax sort is stable, so selected positions come first in increasing order.
    order = jnp.argsort(jnp.where(selected, 0, 1), axis=1)
    positions = order[:, :L]
    n_sel = jnp.minimum(jnp.sum(selected.astype(jnp.int32), axis=1), L)
    valid = jnp.arange(L, dtype=jnp.int32)[None, :] < n_sel[:, None]
    mask_positions = jnp.where(valid, positions, 0)
    mask_ids = jnp.where(valid, jnp.take_along_axis(inputs, positions, axis=1), 0)
    mask_weights = valid.astype(jnp.float32)

    return token_ids, mask_positions, mask_ids, mask_weights

if __name__ == "__main__":
    import jax
    _d = setup_inputs()
    print(jax.jit(kernel)(*tuple(_d.values())))

</pallas_src>

<mosaic_0001>
#map = affine_map<(d0, d1) -> (0, 0)>
module attributes {stable_mosaic.version = 14 : i64} {
  func.func @_sc_body(%arg0: i32, %arg1: i32, %arg2: memref<16x2048xi32, #tpu.memory_space<hbm>>, %arg3: memref<16x2048xi32, #tpu.memory_space<hbm>>, %arg4: memref<16x2048xi32, #tpu.memory_space<hbm>>, %arg5: memref<16x320xi32, #tpu.memory_space<hbm>>, %arg6: memref<16x320xi32, #tpu.memory_space<hbm>>, %arg7: memref<16x320xf32, #tpu.memory_space<hbm>>, %arg8: memref<2048xi32, #tpu.memory_space<vmem>>, %arg9: memref<2048xi32, #tpu.memory_space<vmem>>, %arg10: memref<2048xi32, #tpu.memory_space<vmem>>, %arg11: memref<320xi32, #tpu.memory_space<vmem>>, %arg12: memref<320xi32, #tpu.memory_space<vmem>>, %arg13: memref<320xf32, #tpu.memory_space<vmem>>) attributes {dimension_semantics = [#tpu.dimension_semantics<core_parallel>, #tpu.dimension_semantics<subcore_parallel>], iteration_bounds = array<i64: 1, 16>, scalar_prefetch = 0 : i64, scratch_operands = 6 : i64, tpu.core_type = #tpu.core_type<sc_vector_subcore>, window_params = [{transform_indices = #map}, {transform_indices = #map}, {transform_indices = #map}, {transform_indices = #map}, {transform_indices = #map}, {transform_indices = #map}]} {
    %lt3A = arith.constant 16 : i32
    %lt3A_0 = arith.cmpi slt, %arg1, %lt3A : i32
    %convert_element_type3A = arith.extui %lt3A_0 : i1 to i32
    %cond3A = arith.constant 0 : i32
    %cond3A_1 = arith.cmpi ne, %convert_element_type3A, %cond3A : i32
    scf.if %cond3A_1 {
      "tpu.region"() ({
        %run_scoped3A = tpu.sem_alloc : memref<!tpu.dma_semaphore, #tpu.memory_space<semaphore_mem>>
        %dma_start3A = arith.constant 0 : i32
        %dma_start3A_132 = tpu.memref_slice %arg2[%arg1, %dma_start3A] : memref<16x2048xi32, #tpu.memory_space<hbm>> -> memref<1x2048xi32, #tpu.memory_space<hbm>>
        %dma_start3A_133 = tpu.memref_squeeze %dma_start3A_132 : memref<1x2048xi32, #tpu.memory_space<hbm>> -> memref<2048xi32, #tpu.memory_space<hbm>>
        %dma_start3A_134 = arith.constant 0 : i32
        %dma_start3A_135 = tpu.memref_slice %arg2[%arg1, %dma_start3A_134] : memref<16x2048xi32, #tpu.memory_space<hbm>> -> memref<1x2048xi32, #tpu.memory_space<hbm>>
        %dma_start3A_136 = tpu.memref_squeeze %dma_start3A_135 : memref<1x2048xi32, #tpu.memory_space<hbm>> -> memref<2048xi32, #tpu.memory_space<hbm>>
        tpu.enqueue_dma source(%dma_start3A_136 : memref<2048xi32, #tpu.memory_space<hbm>>) target(%arg8 : memref<2048xi32, #tpu.memory_space<vmem>>) target_semaphore(%run_scoped3A : memref<!tpu.dma_semaphore, #tpu.memory_space<semaphore_mem>>)
        %dma_wait3A = arith.constant 0 : i32
        %dma_wait3A_137 = tpu.memref_slice %arg2[%arg1, %dma_wait3A] : memref<16x2048xi32, #tpu.memory_space<hbm>> -> memref<1x2048xi32, #tpu.memory_space<hbm>>
        %dma_wait3A_138 = tpu.memref_squeeze %dma_wait3A_137 : memref<1x2048xi32, #tpu.memory_space<hbm>> -> memref<2048xi32, #tpu.memory_space<hbm>>
        %dma_wait3A_139 = arith.constant 0 : i32
        %dma_wait3A_140 = tpu.memref_slice %arg2[%arg1, %dma_wait3A_139] : memref<16x2048xi32, #tpu.memory_space<hbm>> -> memref<1x2048xi32, #tpu.memory_space<hbm>>
        %dma_wait3A_141 = tpu.memref_squeeze %dma_wait3A_140 : memref<1x2048xi32, #tpu.memory_space<hbm>> -> memref<2048xi32, #tpu.memory_space<hbm>>
        tpu.wait_dma2 semaphore(%run_scoped3A : memref<!tpu.dma_semaphore, #tpu.memory_space<semaphore_mem>>) src(%dma_wait3A_141 : memref<2048xi32, #tpu.memory_space<hbm>>) dst(%arg8 : memref<2048xi32, #tpu.memory_space<vmem>>)
        tpu.yield
      }) : () -> ()
      "tpu.region"() ({
        %run_scoped3A = tpu.sem_alloc : memref<!tpu.dma_semaphore, #tpu.memory_space<semaphore_mem>>
        %dma_start3A = arith.constant 0 : i32
        %dma_start3A_132 = tpu.memref_slice %arg3[%arg1, %dma_start3A] : memref<16x2048xi32, #tpu.memory_space<hbm>> -> memref<1x2048xi32, #tpu.memory_space<hbm>>
        %dma_start3A_133 = tpu.memref_squeeze %dma_start3A_132 : memref<1x2048xi32, #tpu.memory_space<hbm>> -> memref<2048xi32, #tpu.memory_space<hbm>>
        %dma_start3A_134 = arith.constant 0 : i32
        %dma_start3A_135 = tpu.memref_slice %arg3[%arg1, %dma_start3A_134] : memref<16x2048xi32, #tpu.memory_space<hbm>> -> memref<1x2048xi32, #tpu.memory_space<hbm>>
        %dma_start3A_136 = tpu.memref_squeeze %dma_start3A_135 : memref<1x2048xi32, #tpu.memory_space<hbm>> -> memref<2048xi32, #tpu.memory_space<hbm>>
        tpu.enqueue_dma source(%dma_start3A_136 : memref<2048xi32, #tpu.memory_space<hbm>>) target(%arg9 : memref<2048xi32, #tpu.memory_space<vmem>>) target_semaphore(%run_scoped3A : memref<!tpu.dma_semaphore, #tpu.memory_space<semaphore_mem>>)
        %dma_wait3A = arith.constant 0 : i32
        %dma_wait3A_137 = tpu.memref_slice %arg3[%arg1, %dma_wait3A] : memref<16x2048xi32, #tpu.memory_space<hbm>> -> memref<1x2048xi32, #tpu.memory_space<hbm>>
        %dma_wait3A_138 = tpu.memref_squeeze %dma_wait3A_137 : memref<1x2048xi32, #tpu.memory_space<hbm>> -> memref<2048xi32, #tpu.memory_space<hbm>>
        %dma_wait3A_139 = arith.constant 0 : i32
        %dma_wait3A_140 = tpu.memref_slice %arg3[%arg1, %dma_wait3A_139] : memref<16x2048xi32, #tpu.memory_space<hbm>> -> memref<1x2048xi32, #tpu.memory_space<hbm>>
        %dma_wait3A_141 = tpu.memref_squeeze %dma_wait3A_140 : memref<1x2048xi32, #tpu.memory_space<hbm>> -> memref<2048xi32, #tpu.memory_space<hbm>>
        tpu.wait_dma2 semaphore(%run_scoped3A : memref<!tpu.dma_semaphore, #tpu.memory_space<semaphore_mem>>) src(%dma_wait3A_141 : memref<2048xi32, #tpu.memory_space<hbm>>) dst(%arg9 : memref<2048xi32, #tpu.memory_space<vmem>>)
        tpu.yield
      }) : () -> ()
      %broadcast_in_dim3A = arith.constant 0 : i32
      %broadcast_in_dim3A_2 = vector.broadcast %broadcast_in_dim3A : i32 to vector<16xi32>
      %broadcast_in_dim3A_3 = arith.constant 0.000000e+00 : f32
      %broadcast_in_dim3A_4 = vector.broadcast %broadcast_in_dim3A_3 : f32 to vector<16xf32>
      %swap3A = arith.constant 0 : index
      %swap3A_5 = tpu.vector_load %arg11[%swap3A] {strides = array<i32>} : memref<320xi32, #tpu.memory_space<vmem>>, vector<16xi32>,
      tpu.vector_store %arg11[%swap3A], %broadcast_in_dim3A_2 {strides = array<i32>} : memref<320xi32, #tpu.memory_space<vmem>>, vector<16xi32>,
      %swap3A_6 = arith.constant 0 : index
      %swap3A_7 = tpu.vector_load %arg12[%swap3A_6] {strides = array<i32>} : memref<320xi32, #tpu.memory_space<vmem>>, vector<16xi32>,
      tpu.vector_store %arg12[%swap3A_6], %broadcast_in_dim3A_2 {strides = array<i32>} : memref<320xi32, #tpu.memory_space<vmem>>, vector<16xi32>,
      %swap3A_8 = arith.constant 0 : index
      %swap3A_9 = tpu.vector_load %arg13[%swap3A_8] {strides = array<i32>} : memref<320xf32, #tpu.memory_space<vmem>>, vector<16xf32>,
      tpu.vector_store %arg13[%swap3A_8], %broadcast_in_dim3A_4 {strides = array<i32>} : memref<320xf32, #tpu.memory_space<vmem>>, vector<16xf32>,
      %swap3A_10 = arith.constant 16 : index
      %swap3A_11 = tpu.vector_load %arg11[%swap3A_10] {strides = array<i32>} : memref<320xi32, #tpu.memory_space<vmem>>, vector<16xi32>,
      tpu.vector_store %arg11[%swap3A_10], %broadcast_in_dim3A_2 {strides = array<i32>} : memref<320xi32, #tpu.memory_space<vmem>>, vector<16xi32>,
      %swap3A_12 = arith.constant 16 : index
      %swap3A_13 = tpu.vector_load %arg12[%swap3A_12] {strides = array<i32>} : memref<320xi32, #tpu.memory_space<vmem>>, vector<16xi32>,
      tpu.vector_store %arg12[%swap3A_12], %broadcast_in_dim3A_2 {strides = array<i32>} : memref<320xi32, #tpu.memory_space<vmem>>, vector<16xi32>,
      %swap3A_14 = arith.constant 16 : index
      %swap3A_15 = tpu.vector_load %arg13[%swap3A_14] {strides = array<i32>} : memref<320xf32, #tpu.memory_space<vmem>>, vector<16xf32>,
      tpu.vector_store %arg13[%swap3A_14], %broadcast_in_dim3A_4 {strides = array<i32>} : memref<320xf32, #tpu.memory_space<vmem>>, vector<16xf32>,
      %swap3A_16 = arith.constant 32 : index
      %swap3A_17 = tpu.vector_load %arg11[%swap3A_16] {strides = array<i32>} : memref<320xi32, #tpu.memory_space<vmem>>, vector<16xi32>,
      tpu.vector_store %arg11[%swap3A_16], %broadcast_in_dim3A_2 {strides = array<i32>} : memref<320xi32, #tpu.memory_space<vmem>>, vector<16xi32>,
      %swap3A_18 = arith.constant 32 : index
      %swap3A_19 = tpu.vector_load %arg12[%swap3A_18] {strides = array<i32>} : memref<320xi32, #tpu.memory_space<vmem>>, vector<16xi32>,
      tpu.vector_store %arg12[%swap3A_18], %broadcast_in_dim3A_2 {strides = array<i32>} : memref<320xi32, #tpu.memory_space<vmem>>, vector<16xi32>,
      %swap3A_20 = arith.constant 32 : index
      %swap3A_21 = tpu.vector_load %arg13[%swap3A_20] {strides = array<i32>} : memref<320xf32, #tpu.memory_space<vmem>>, vector<16xf32>,
      tpu.vector_store %arg13[%swap3A_20], %broadcast_in_dim3A_4 {strides = array<i32>} : memref<320xf32, #tpu.memory_space<vmem>>, vector<16xf32>,
      %swap3A_22 = arith.constant 48 : index
      %swap3A_23 = tpu.vector_load %arg11[%swap3A_22] {strides = array<i32>} : memref<320xi32, #tpu.memory_space<vmem>>, vector<16xi32>,
      tpu.vector_store %arg11[%swap3A_22], %broadcast_in_dim3A_2 {strides = array<i32>} : memref<320xi32, #tpu.memory_space<vmem>>, vector<16xi32>,
      %swap3A_24 = arith.constant 48 : index
      %swap3A_25 = tpu.vector_load %arg12[%swap3A_24] {strides = array<i32>} : memref<320xi32, #tpu.memory_space<vmem>>, vector<16xi32>,
      tpu.vector_store %arg12[%swap3A_24], %broadcast_in_dim3A_2 {strides = array<i32>} : memref<320xi32, #tpu.memory_space<vmem>>, vector<16xi32>,
      %swap3A_26 = arith.constant 48 : index
      %swap3A_27 = tpu.vector_load %arg13[%swap3A_26] {strides = array<i32>} : memref<320xf32, #tpu.memory_space<vmem>>, vector<16xf32>,
      tpu.vector_store %arg13[%swap3A_26], %broadcast_in_dim3A_4 {strides = array<i32>} : memref<320xf32, #tpu.memory_space<vmem>>, vector<16xf32>,
      %swap3A_28 = arith.constant 64 : index
      %swap3A_29 = tpu.vector_load %arg11[%swap3A_28] {strides = array<i32>} : memref<320xi32, #tpu.memory_space<vmem>>, vector<16xi32>,
      tpu.vector_store %arg11[%swap3A_28], %broadcast_in_dim3A_2 {strides = array<i32>} : memref<320xi32, #tpu.memory_space<vmem>>, vector<16xi32>,
      %swap3A_30 = arith.constant 64 : index
      %swap3A_31 = tpu.vector_load %arg12[%swap3A_30] {strides = array<i32>} : memref<320xi32, #tpu.memory_space<vmem>>, vector<16xi32>,
      tpu.vector_store %arg12[%swap3A_30], %broadcast_in_dim3A_2 {strides = array<i32>} : memref<320xi32, #tpu.memory_space<vmem>>, vector<16xi32>,
      %swap3A_32 = arith.constant 64 : index
      %swap3A_33 = tpu.vector_load %arg13[%swap3A_32] {strides = array<i32>} : memref<320xf32, #tpu.memory_space<vmem>>, vector<16xf32>,
      tpu.vector_store %arg13[%swap3A_32], %broadcast_in_dim3A_4 {strides = array<i32>} : memref<320xf32, #tpu.memory_space<vmem>>, vector<16xf32>,
      %swap3A_34 = arith.constant 80 : index
      %swap3A_35 = tpu.vector_load %arg11[%swap3A_34] {strides = array<i32>} : memref<320xi32, #tpu.memory_space<vmem>>, vector<16xi32>,
      tpu.vector_store %arg11[%swap3A_34], %broadcast_in_dim3A_2 {strides = array<i32>} : memref<320xi32, #tpu.memory_space<vmem>>, vector<16xi32>,
      %swap3A_36 = arith.constant 80 : index
      %swap3A_37 = tpu.vector_load %arg12[%swap3A_36] {strides = array<i32>} : memref<320xi32, #tpu.memory_space<vmem>>, vector<16xi32>,
      tpu.vector_store %arg12[%swap3A_36], %broadcast_in_dim3A_2 {strides = array<i32>} : memref<320xi32, #tpu.memory_space<vmem>>, vector<16xi32>,
      %swap3A_38 = arith.constant 80 : index
      %swap3A_39 = tpu.vector_load %arg13[%swap3A_38] {strides = array<i32>} : memref<320xf32, #tpu.memory_space<vmem>>, vector<16xf32>,
      tpu.vector_store %arg13[%swap3A_38], %broadcast_in_dim3A_4 {strides = array<i32>} : memref<320xf32, #tpu.memory_space<vmem>>, vector<16xf32>,
      %swap3A_40 = arith.constant 96 : index
      %swap3A_41 = tpu.vector_load %arg11[%swap3A_40] {strides = array<i32>} : memref<320xi32, #tpu.memory_space<vmem>>, vector<16xi32>,
      tpu.vector_store %arg11[%swap3A_40], %broadcast_in_dim3A_2 {strides = array<i32>} : memref<320xi32, #tpu.memory_space<vmem>>, vector<16xi32>,
      %swap3A_42 = arith.constant 96 : index
      %swap3A_43 = tpu.vector_load %arg12[%swap3A_42] {strides = array<i32>} : memref<320xi32, #tpu.memory_space<vmem>>, vector<16xi32>,
      tpu.vector_store %arg12[%swap3A_42], %broadcast_in_dim3A_2 {strides = array<i32>} : memref<320xi32, #tpu.memory_space<vmem>>, vector<16xi32>,
      %swap3A_44 = arith.constant 96 : index
      %swap3A_45 = tpu.vector_load %arg13[%swap3A_44] {strides = array<i32>} : memref<320xf32, #tpu.memory_space<vmem>>, vector<16xf32>,
      tpu.vector_store %arg13[%swap3A_44], %broadcast_in_dim3A_4 {strides = array<i32>} : memref<320xf32, #tpu.memory_space<vmem>>, vector<16xf32>,
      %swap3A_46 = arith.constant 112 : index
      %swap3A_47 = tpu.vector_load %arg11[%swap3A_46] {strides = array<i32>} : memref<320xi32, #tpu.memory_space<vmem>>, vector<16xi32>,
      tpu.vector_store %arg11[%swap3A_46], %broadcast_in_dim3A_2 {strides = array<i32>} : memref<320xi32, #tpu.memory_space<vmem>>, vector<16xi32>,
      %swap3A_48 = arith.constant 112 : index
      %swap3A_49 = tpu.vector_load %arg12[%swap3A_48] {strides = array<i32>} : memref<320xi32, #tpu.memory_space<vmem>>, vector<16xi32>,
      tpu.vector_store %arg12[%swap3A_48], %broadcast_in_dim3A_2 {strides = array<i32>} : memref<320xi32, #tpu.memory_space<vmem>>, vector<16xi32>,
      %swap3A_50 = arith.constant 112 : index
      %swap3A_51 = tpu.vector_load %arg13[%swap3A_50] {strides = array<i32>} : memref<320xf32, #tpu.memory_space<vmem>>, vector<16xf32>,
      tpu.vector_store %arg13[%swap3A_50], %broadcast_in_dim3A_4 {strides = array<i32>} : memref<320xf32, #tpu.memory_space<vmem>>, vector<16xf32>,
      %swap3A_52 = arith.constant 128 : index
      %swap3A_53 = tpu.vector_load %arg11[%swap3A_52] {strides = array<i32>} : memref<320xi32, #tpu.memory_space<vmem>>, vector<16xi32>,
      tpu.vector_store %arg11[%swap3A_52], %broadcast_in_dim3A_2 {strides = array<i32>} : memref<320xi32, #tpu.memory_space<vmem>>, vector<16xi32>,
      %swap3A_54 = arith.constant 128 : index
      %swap3A_55 = tpu.vector_load %arg12[%swap3A_54] {strides = array<i32>} : memref<320xi32, #tpu.memory_space<vmem>>, vector<16xi32>,
      tpu.vector_store %arg12[%swap3A_54], %broadcast_in_dim3A_2 {strides = array<i32>} : memref<320xi32, #tpu.memory_space<vmem>>, vector<16xi32>,
      %swap3A_56 = arith.constant 128 : index
      %swap3A_57 = tpu.vector_load %arg13[%swap3A_56] {strides = array<i32>} : memref<320xf32, #tpu.memory_space<vmem>>, vector<16xf32>,
      tpu.vector_store %arg13[%swap3A_56], %broadcast_in_dim3A_4 {strides = array<i32>} : memref<320xf32, #tpu.memory_space<vmem>>, vector<16xf32>,
      %swap3A_58 = arith.constant 144 : index
      %swap3A_59 = tpu.vector_load %arg11[%swap3A_58] {strides = array<i32>} : memref<320xi32, #tpu.memory_space<vmem>>, vector<16xi32>,
      tpu.vector_store %arg11[%swap3A_58], %broadcast_in_dim3A_2 {strides = array<i32>} : memref<320xi32, #tpu.memory_space<vmem>>, vector<16xi32>,
      %swap3A_60 = arith.constant 144 : index
      %swap3A_61 = tpu.vector_load %arg12[%swap3A_60] {strides = array<i32>} : memref<320xi32, #tpu.memory_space<vmem>>, vector<16xi32>,
      tpu.vector_store %arg12[%swap3A_60], %broadcast_in_dim3A_2 {strides = array<i32>} : memref<320xi32, #tpu.memory_space<vmem>>, vector<16xi32>,
      %swap3A_62 = arith.constant 144 : index
      %swap3A_63 = tpu.vector_load %arg13[%swap3A_62] {strides = array<i32>} : memref<320xf32, #tpu.memory_space<vmem>>, vector<16xf32>,
      tpu.vector_store %arg13[%swap3A_62], %broadcast_in_dim3A_4 {strides = array<i32>} : memref<320xf32, #tpu.memory_space<vmem>>, vector<16xf32>,
      %swap3A_64 = arith.constant 160 : index
      %swap3A_65 = tpu.vector_load %arg11[%swap3A_64] {strides = array<i32>} : memref<320xi32, #tpu.memory_space<vmem>>, vector<16xi32>,
      tpu.vector_store %arg11[%swap3A_64], %broadcast_in_dim3A_2 {strides = array<i32>} : memref<320xi32, #tpu.memory_space<vmem>>, vector<16xi32>,
      %swap3A_66 = arith.constant 160 : index
      %swap3A_67 = tpu.vector_load %arg12[%swap3A_66] {strides = array<i32>} : memref<320xi32, #tpu.memory_space<vmem>>, vector<16xi32>,
      tpu.vector_store %arg12[%swap3A_66], %broadcast_in_dim3A_2 {strides = array<i32>} : memref<320xi32, #tpu.memory_space<vmem>>, vector<16xi32>,
      %swap3A_68 = arith.constant 160 : index
      %swap3A_69 = tpu.vector_load %arg13[%swap3A_68] {strides = array<i32>} : memref<320xf32, #tpu.memory_space<vmem>>, vector<16xf32>,
      tpu.vector_store %arg13[%swap3A_68], %broadcast_in_dim3A_4 {strides = array<i32>} : memref<320xf32, #tpu.memory_space<vmem>>, vector<16xf32>,
      %swap3A_70 = arith.constant 176 : index
      %swap3A_71 = tpu.vector_load %arg11[%swap3A_70] {strides = array<i32>} : memref<320xi32, #tpu.memory_space<vmem>>, vector<16xi32>,
      tpu.vector_store %arg11[%swap3A_70], %broadcast_in_dim3A_2 {strides = array<i32>} : memref<320xi32, #tpu.memory_space<vmem>>, vector<16xi32>,
      %swap3A_72 = arith.constant 176 : index
      %swap3A_73 = tpu.vector_load %arg12[%swap3A_72] {strides = array<i32>} : memref<320xi32, #tpu.memory_space<vmem>>, vector<16xi32>,
      tpu.vector_store %arg12[%swap3A_72], %broadcast_in_dim3A_2 {strides = array<i32>} : memref<320xi32, #tpu.memory_space<vmem>>, vector<16xi32>,
      %swap3A_74 = arith.constant 176 : index
      %swap3A_75 = tpu.vector_load %arg13[%swap3A_74] {strides = array<i32>} : memref<320xf32, #tpu.memory_space<vmem>>, vector<16xf32>,
      tpu.vector_store %arg13[%swap3A_74], %broadcast_in_dim3A_4 {strides = array<i32>} : memref<320xf32, #tpu.memory_space<vmem>>, vector<16xf32>,
      %swap3A_76 = arith.constant 192 : index
      %swap3A_77 = tpu.vector_load %arg11[%swap3A_76] {strides = array<i32>} : memref<320xi32, #tpu.memory_space<vmem>>, vector<16xi32>,
      tpu.vector_store %arg11[%swap3A_76], %broadcast_in_dim3A_2 {strides = array<i32>} : memref<320xi32, #tpu.memory_space<vmem>>, vector<16xi32>,
      %swap3A_78 = arith.constant 192 : index
      %swap3A_79 = tpu.vector_load %arg12[%swap3A_78] {strides = array<i32>} : memref<320xi32, #tpu.memory_space<vmem>>, vector<16xi32>,
      tpu.vector_store %arg12[%swap3A_78], %broadcast_in_dim3A_2 {strides = array<i32>} : memref<320xi32, #tpu.memory_space<vmem>>, vector<16xi32>,
      %swap3A_80 = arith.constant 192 : index
      %swap3A_81 = tpu.vector_load %arg13[%swap3A_80] {strides = array<i32>} : memref<320xf32, #tpu.memory_space<vmem>>, vector<16xf32>,
      tpu.vector_store %arg13[%swap3A_80], %broadcast_in_dim3A_4 {strides = array<i32>} : memref<320xf32, #tpu.memory_space<vmem>>, vector<16xf32>,
      %swap3A_82 = arith.constant 208 : index
      %swap3A_83 = tpu.vector_load %arg11[%swap3A_82] {strides = array<i32>} : memref<320xi32, #tpu.memory_space<vmem>>, vector<16xi32>,
      tpu.vector_store %arg11[%swap3A_82], %broadcast_in_dim3A_2 {strides = array<i32>} : memref<320xi32, #tpu.memory_space<vmem>>, vector<16xi32>,
      %swap3A_84 = arith.constant 208 : index
      %swap3A_85 = tpu.vector_load %arg12[%swap3A_84] {strides = array<i32>} : memref<320xi32, #tpu.memory_space<vmem>>, vector<16xi32>,
      tpu.vector_store %arg12[%swap3A_84], %broadcast_in_dim3A_2 {strides = array<i32>} : memref<320xi32, #tpu.memory_space<vmem>>, vector<16xi32>,
      %swap3A_86 = arith.constant 208 : index
      %swap3A_87 = tpu.vector_load %arg13[%swap3A_86] {strides = array<i32>} : memref<320xf32, #tpu.memory_space<vmem>>, vector<16xf32>,
      tpu.vector_store %arg13[%swap3A_86], %broadcast_in_dim3A_4 {strides = array<i32>} : memref<320xf32, #tpu.memory_space<vmem>>, vector<16xf32>,
      %swap3A_88 = arith.constant 224 : index
      %swap3A_89 = tpu.vector_load %arg11[%swap3A_88] {strides = array<i32>} : memref<320xi32, #tpu.memory_space<vmem>>, vector<16xi32>,
      tpu.vector_store %arg11[%swap3A_88], %broadcast_in_dim3A_2 {strides = array<i32>} : memref<320xi32, #tpu.memory_space<vmem>>, vector<16xi32>,
      %swap3A_90 = arith.constant 224 : index
      %swap3A_91 = tpu.vector_load %arg12[%swap3A_90] {strides = array<i32>} : memref<320xi32, #tpu.memory_space<vmem>>, vector<16xi32>,
      tpu.vector_store %arg12[%swap3A_90], %broadcast_in_dim3A_2 {strides = array<i32>} : memref<320xi32, #tpu.memory_space<vmem>>, vector<16xi32>,
      %swap3A_92 = arith.constant 224 : index
      %swap3A_93 = tpu.vector_load %arg13[%swap3A_92] {strides = array<i32>} : memref<320xf32, #tpu.memory_space<vmem>>, vector<16xf32>,
      tpu.vector_store %arg13[%swap3A_92], %broadcast_in_dim3A_4 {strides = array<i32>} : memref<320xf32, #tpu.memory_space<vmem>>, vector<16xf32>,
      %swap3A_94 = arith.constant 240 : index
      %swap3A_95 = tpu.vector_load %arg11[%swap3A_94] {strides = array<i32>} : memref<320xi32, #tpu.memory_space<vmem>>, vector<16xi32>,
      tpu.vector_store %arg11[%swap3A_94], %broadcast_in_dim3A_2 {strides = array<i32>} : memref<320xi32, #tpu.memory_space<vmem>>, vector<16xi32>,
      %swap3A_96 = arith.constant 240 : index
      %swap3A_97 = tpu.vector_load %arg12[%swap3A_96] {strides = array<i32>} : memref<320xi32, #tpu.memory_space<vmem>>, vector<16xi32>,
      tpu.vector_store %arg12[%swap3A_96], %broadcast_in_dim3A_2 {strides = array<i32>} : memref<320xi32, #tpu.memory_space<vmem>>, vector<16xi32>,
      %swap3A_98 = arith.constant 240 : index
      %swap3A_99 = tpu.vector_load %arg13[%swap3A_98] {strides = array<i32>} : memref<320xf32, #tpu.memory_space<vmem>>, vector<16xf32>,
      tpu.vector_store %arg13[%swap3A_98], %broadcast_in_dim3A_4 {strides = array<i32>} : memref<320xf32, #tpu.memory_space<vmem>>, vector<16xf32>,
      %swap3A_100 = arith.constant 256 : index
      %swap3A_101 = tpu.vector_load %arg11[%swap3A_100] {strides = array<i32>} : memref<320xi32, #tpu.memory_space<vmem>>, vector<16xi32>,
      tpu.vector_store %arg11[%swap3A_100], %broadcast_in_dim3A_2 {strides = array<i32>} : memref<320xi32, #tpu.memory_space<vmem>>, vector<16xi32>,
      %swap3A_102 = arith.constant 256 : index
      %swap3A_103 = tpu.vector_load %arg12[%swap3A_102] {strides = array<i32>} : memref<320xi32, #tpu.memory_space<vmem>>, vector<16xi32>,
      tpu.vector_store %arg12[%swap3A_102], %broadcast_in_dim3A_2 {strides = array<i32>} : memref<320xi32, #tpu.memory_space<vmem>>, vector<16xi32>,
      %swap3A_104 = arith.constant 256 : index
      %swap3A_105 = tpu.vector_load %arg13[%swap3A_104] {strides = array<i32>} : memref<320xf32, #tpu.memory_space<vmem>>, vector<16xf32>,
      tpu.vector_store %arg13[%swap3A_104], %broadcast_in_dim3A_4 {strides = array<i32>} : memref<320xf32, #tpu.memory_space<vmem>>, vector<16xf32>,
      %swap3A_106 = arith.constant 272 : index
      %swap3A_107 = tpu.vector_load %arg11[%swap3A_106] {strides = array<i32>} : memref<320xi32, #tpu.memory_space<vmem>>, vector<16xi32>,
      tpu.vector_store %arg11[%swap3A_106], %broadcast_in_dim3A_2 {strides = array<i32>} : memref<320xi32, #tpu.memory_space<vmem>>, vector<16xi32>,
      %swap3A_108 = arith.constant 272 : index
      %swap3A_109 = tpu.vector_load %arg12[%swap3A_108] {strides = array<i32>} : memref<320xi32, #tpu.memory_space<vmem>>, vector<16xi32>,
      tpu.vector_store %arg12[%swap3A_108], %broadcast_in_dim3A_2 {strides = array<i32>} : memref<320xi32, #tpu.memory_space<vmem>>, vector<16xi32>,
      %swap3A_110 = arith.constant 272 : index
      %swap3A_111 = tpu.vector_load %arg13[%swap3A_110] {strides = array<i32>} : memref<320xf32, #tpu.memory_space<vmem>>, vector<16xf32>,
      tpu.vector_store %arg13[%swap3A_110], %broadcast_in_dim3A_4 {strides = array<i32>} : memref<320xf32, #tpu.memory_space<vmem>>, vector<16xf32>,
      %swap3A_112 = arith.constant 288 : index
      %swap3A_113 = tpu.vector_load %arg11[%swap3A_112] {strides = array<i32>} : memref<320xi32, #tpu.memory_space<vmem>>, vector<16xi32>,
      tpu.vector_store %arg11[%swap3A_112], %broadcast_in_dim3A_2 {strides = array<i32>} : memref<320xi32, #tpu.memory_space<vmem>>, vector<16xi32>,
      %swap3A_114 = arith.constant 288 : index
      %swap3A_115 = tpu.vector_load %arg12[%swap3A_114] {strides = array<i32>} : memref<320xi32, #tpu.memory_space<vmem>>, vector<16xi32>,
      tpu.vector_store %arg12[%swap3A_114], %broadcast_in_dim3A_2 {strides = array<i32>} : memref<320xi32, #tpu.memory_space<vmem>>, vector<16xi32>,
      %swap3A_116 = arith.constant 288 : index
      %swap3A_117 = tpu.vector_load %arg13[%swap3A_116] {strides = array<i32>} : memref<320xf32, #tpu.memory_space<vmem>>, vector<16xf32>,
      tpu.vector_store %arg13[%swap3A_116], %broadcast_in_dim3A_4 {strides = array<i32>} : memref<320xf32, #tpu.memory_space<vmem>>, vector<16xf32>,
      %swap3A_118 = arith.constant 304 : index
      %swap3A_119 = tpu.vector_load %arg11[%swap3A_118] {strides = array<i32>} : memref<320xi32, #tpu.memory_space<vmem>>, vector<16xi32>,
      tpu.vector_store %arg11[%swap3A_118], %broadcast_in_dim3A_2 {strides = array<i32>} : memref<320xi32, #tpu.memory_space<vmem>>, vector<16xi32>,
      %swap3A_120 = arith.constant 304 : index
      %swap3A_121 = tpu.vector_load %arg12[%swap3A_120] {strides = array<i32>} : memref<320xi32, #tpu.memory_space<vmem>>, vector<16xi32>,
      tpu.vector_store %arg12[%swap3A_120], %broadcast_in_dim3A_2 {strides = array<i32>} : memref<320xi32, #tpu.memory_space<vmem>>, vector<16xi32>,
      %swap3A_122 = arith.constant 304 : index
      %swap3A_123 = tpu.vector_load %arg13[%swap3A_122] {strides = array<i32>} : memref<320xf32, #tpu.memory_space<vmem>>, vector<16xf32>,
      tpu.vector_store %arg13[%swap3A_122], %broadcast_in_dim3A_4 {strides = array<i32>} : memref<320xf32, #tpu.memory_space<vmem>>, vector<16xf32>,
      %iota3A = tpu.iota {dimensions = array<i32: 0>} : vector<16xi32>
      %broadcast_in_dim3A_124 = arith.constant 1.000000e+00 : f32
      %broadcast_in_dim3A_125 = vector.broadcast %broadcast_in_dim3A_124 : f32 to vector<16xf32>
      %scan3A = arith.constant 0 : i32
      %scan3A_126 = arith.constant 0 : i32
      %scan3A_127 = arith.constant 128 : i32
      %scan3A_128 = arith.addi %scan3A_126, %scan3A_127 : i32
      %scan3A_129 = arith.constant 1 : i32
      %scan3A_130 = scf.for %scan3A_132 = %scan3A_126 to %scan3A_128 step %scan3A_129 iter_args(%scan3A_133 = %scan3A) -> (i32)  : i32 {
        %mul3A = arith.constant 16 : i32
        %mul3A_134 = arith.muli %scan3A_132, %mul3A : i32
        %get3A = arith.index_cast %mul3A_134 : i32 to index
        %get3A_135 = tpu.vector_load %arg8[%get3A] {strides = array<i32>} : memref<2048xi32, #tpu.memory_space<vmem>>, vector<16xi32>,
        %get3A_136 = arith.index_cast %mul3A_134 : i32 to index
        %get3A_137 = tpu.vector_load %arg9[%get3A_136] {strides = array<i32>} : memref<2048xi32, #tpu.memory_space<vmem>>, vector<16xi32>,
        %ne3A = arith.constant -1 : i32
        %ne3A_138 = vector.broadcast %ne3A : i32 to vector<16xi32>
        %ne3A_139 = arith.cmpi ne, %get3A_137, %ne3A_138 : vector<16xi32>
        %ne3A_140 = arith.constant 0 : i32
        %ne3A_141 = vector.broadcast %ne3A_140 : i32 to vector<16xi32>
        %ne3A_142 = arith.cmpi ne, %get3A_135, %ne3A_141 : vector<16xi32>
        %and3A = arith.andi %ne3A_139, %ne3A_142 : vector<16xi1>
        %jit3A = arith.constant 1 : i32
        %jit3A_143 = arith.constant 0 : i32
        %broadcast_in_dim3A_144 = vector.broadcast %jit3A : i32 to vector<16xi32>
        %broadcast_in_dim3A_145 = vector.broadcast %jit3A_143 : i32 to vector<16xi32>
        %select_n3A = arith.select %and3A, %broadcast_in_dim3A_144, %broadcast_in_dim3A_145 : vector<16xi1>, vector<16xi32>
        %broadcast_in_dim3A_146 = arith.constant true
        %broadcast_in_dim3A_147 = vector.broadcast %broadcast_in_dim3A_146 : i1 to vector<16xi1>
        %masked_cumsum3A = tpu.scan <sum>, %select_n3A masked %broadcast_in_dim3A_147 : vector<16xi32>, vector<16xi1> -> vector<16xi32>
        %add3A = vector.broadcast %scan3A_133 : i32 to vector<16xi32>
        %add3A_148 = arith.addi %masked_cumsum3A, %add3A : vector<16xi32>
        %le3A = arith.constant 320 : i32
        %le3A_149 = vector.broadcast %le3A : i32 to vector<16xi32>
        %le3A_150 = arith.cmpi sle, %add3A_148, %le3A_149 : vector<16xi32>
        %and3A_151 = arith.andi %and3A, %le3A_150 : vector<16xi1>
        %ge3A = arith.constant 0 : i32
        %ge3A_152 = vector.broadcast %ge3A : i32 to vector<16xi32>
        %ge3A_153 = arith.cmpi sge, %get3A_137, %ge3A_152 : vector<16xi32>
        %and3A_154 = arith.andi %and3A_151, %ge3A_153 : vector<16xi1>
        %select_n3A_155 = arith.select %and3A_154, %get3A_137, %get3A_135 : vector<16xi1>, vector<16xi32>
        %swap3A_156 = arith.index_cast %mul3A_134 : i32 to index
        %swap3A_157 = tpu.vector_load %arg10[%swap3A_156] {strides = array<i32>} : memref<2048xi32, #tpu.memory_space<vmem>>, vector<16xi32>,
        tpu.vector_store %arg10[%swap3A_156], %select_n3A_155 {strides = array<i32>} : memref<2048xi32, #tpu.memory_space<vmem>>, vector<16xi32>,
        %sub3A = arith.constant 1 : i32
        %sub3A_158 = vector.broadcast %sub3A : i32 to vector<16xi32>
        %sub3A_159 = arith.subi %add3A_148, %sub3A_158 : vector<16xi32>
        %add3A_160 = vector.broadcast %mul3A_134 : i32 to vector<16xi32>
        %add3A_161 = arith.addi %add3A_160, %iota3A : vector<16xi32>
        tpu.vector_store_idx %arg11[%sub3A_159], %add3A_161 masked %and3A_151 : memref<320xi32, #tpu.memory_space<vmem>>[vector<16xi32>], vector<16xi32>, vector<16xi1>
        tpu.vector_store_idx %arg12[%sub3A_159], %get3A_135 masked %and3A_151 : memref<320xi32, #tpu.memory_space<vmem>>[vector<16xi32>], vector<16xi32>, vector<16xi1>
        tpu.vector_store_idx %arg13[%sub3A_159], %broadcast_in_dim3A_125 masked %and3A_151 : memref<320xf32, #tpu.memory_space<vmem>>[vector<16xi32>], vector<16xf32>, vector<16xi1>
        %slice3A = vector.extract_strided_slice %add3A_148 {offsets = [15], sizes = [1], strides = [1]} : vector<16xi32> to vector<1xi32>
        %squeeze3A = vector.extract %slice3A[0] : i32 from vector<1xi32>
        scf.yield %squeeze3A : i32
      }
      %scan3A_131 = arith.constant 128 : i32
      "tpu.region"() ({
        %run_scoped3A = tpu.sem_alloc : memref<!tpu.dma_semaphore, #tpu.memory_space<semaphore_mem>>
        %dma_start3A = arith.constant 0 : i32
        %dma_start3A_132 = tpu.memref_slice %arg4[%arg1, %dma_start3A] : memref<16x2048xi32, #tpu.memory_space<hbm>> -> memref<1x2048xi32, #tpu.memory_space<hbm>>
        %dma_start3A_133 = tpu.memref_squeeze %dma_start3A_132 : memref<1x2048xi32, #tpu.memory_space<hbm>> -> memref<2048xi32, #tpu.memory_space<hbm>>
        %dma_start3A_134 = arith.constant 0 : i32
        %dma_start3A_135 = tpu.memref_slice %arg4[%arg1, %dma_start3A_134] : memref<16x2048xi32, #tpu.memory_space<hbm>> -> memref<1x2048xi32, #tpu.memory_space<hbm>>
        %dma_start3A_136 = tpu.memref_squeeze %dma_start3A_135 : memref<1x2048xi32, #tpu.memory_space<hbm>> -> memref<2048xi32, #tpu.memory_space<hbm>>
        tpu.enqueue_dma source(%arg10 : memref<2048xi32, #tpu.memory_space<vmem>>) target(%dma_start3A_136 : memref<2048xi32, #tpu.memory_space<hbm>>) target_semaphore(%run_scoped3A : memref<!tpu.dma_semaphore, #tpu.memory_space<semaphore_mem>>)
        %dma_wait3A = arith.constant 0 : i32
        %dma_wait3A_137 = tpu.memref_slice %arg4[%arg1, %dma_wait3A] : memref<16x2048xi32, #tpu.memory_space<hbm>> -> memref<1x2048xi32, #tpu.memory_space<hbm>>
        %dma_wait3A_138 = tpu.memref_squeeze %dma_wait3A_137 : memref<1x2048xi32, #tpu.memory_space<hbm>> -> memref<2048xi32, #tpu.memory_space<hbm>>
        %dma_wait3A_139 = arith.constant 0 : i32
        %dma_wait3A_140 = tpu.memref_slice %arg4[%arg1, %dma_wait3A_139] : memref<16x2048xi32, #tpu.memory_space<hbm>> -> memref<1x2048xi32, #tpu.memory_space<hbm>>
        %dma_wait3A_141 = tpu.memref_squeeze %dma_wait3A_140 : memref<1x2048xi32, #tpu.memory_space<hbm>> -> memref<2048xi32, #tpu.memory_space<hbm>>
        tpu.wait_dma2 semaphore(%run_scoped3A : memref<!tpu.dma_semaphore, #tpu.memory_space<semaphore_mem>>) src(%arg10 : memref<2048xi32, #tpu.memory_space<vmem>>) dst(%dma_wait3A_141 : memref<2048xi32, #tpu.memory_space<hbm>>)
        tpu.yield
      }) : () -> ()
      "tpu.region"() ({
        %run_scoped3A = tpu.sem_alloc : memref<!tpu.dma_semaphore, #tpu.memory_space<semaphore_mem>>
        %dma_start3A = arith.constant 0 : i32
        %dma_start3A_132 = tpu.memref_slice %arg5[%arg1, %dma_start3A] : memref<16x320xi32, #tpu.memory_space<hbm>> -> memref<1x320xi32, #tpu.memory_space<hbm>>
        %dma_start3A_133 = tpu.memref_squeeze %dma_start3A_132 : memref<1x320xi32, #tpu.memory_space<hbm>> -> memref<320xi32, #tpu.memory_space<hbm>>
        %dma_start3A_134 = arith.constant 0 : i32
        %dma_start3A_135 = tpu.memref_slice %arg5[%arg1, %dma_start3A_134] : memref<16x320xi32, #tpu.memory_space<hbm>> -> memref<1x320xi32, #tpu.memory_space<hbm>>
        %dma_start3A_136 = tpu.memref_squeeze %dma_start3A_135 : memref<1x320xi32, #tpu.memory_space<hbm>> -> memref<320xi32, #tpu.memory_space<hbm>>
        tpu.enqueue_dma source(%arg11 : memref<320xi32, #tpu.memory_space<vmem>>) target(%dma_start3A_136 : memref<320xi32, #tpu.memory_space<hbm>>) target_semaphore(%run_scoped3A : memref<!tpu.dma_semaphore, #tpu.memory_space<semaphore_mem>>)
        %dma_wait3A = arith.constant 0 : i32
        %dma_wait3A_137 = tpu.memref_slice %arg5[%arg1, %dma_wait3A] : memref<16x320xi32, #tpu.memory_space<hbm>> -> memref<1x320xi32, #tpu.memory_space<hbm>>
        %dma_wait3A_138 = tpu.memref_squeeze %dma_wait3A_137 : memref<1x320xi32, #tpu.memory_space<hbm>> -> memref<320xi32, #tpu.memory_space<hbm>>
        %dma_wait3A_139 = arith.constant 0 : i32
        %dma_wait3A_140 = tpu.memref_slice %arg5[%arg1, %dma_wait3A_139] : memref<16x320xi32, #tpu.memory_space<hbm>> -> memref<1x320xi32, #tpu.memory_space<hbm>>
        %dma_wait3A_141 = tpu.memref_squeeze %dma_wait3A_140 : memref<1x320xi32, #tpu.memory_space<hbm>> -> memref<320xi32, #tpu.memory_space<hbm>>
        tpu.wait_dma2 semaphore(%run_scoped3A : memref<!tpu.dma_semaphore, #tpu.memory_space<semaphore_mem>>) src(%arg11 : memref<320xi32, #tpu.memory_space<vmem>>) dst(%dma_wait3A_141 : memref<320xi32, #tpu.memory_space<hbm>>)
        tpu.yield
      }) : () -> ()
      "tpu.region"() ({
        %run_scoped3A = tpu.sem_alloc : memref<!tpu.dma_semaphore, #tpu.memory_space<semaphore_mem>>
        %dma_start3A = arith.constant 0 : i32
        %dma_start3A_132 = tpu.memref_slice %arg6[%arg1, %dma_start3A] : memref<16x320xi32, #tpu.memory_space<hbm>> -> memref<1x320xi32, #tpu.memory_space<hbm>>
        %dma_start3A_133 = tpu.memref_squeeze %dma_start3A_132 : memref<1x320xi32, #tpu.memory_space<hbm>> -> memref<320xi32, #tpu.memory_space<hbm>>
        %dma_start3A_134 = arith.constant 0 : i32
        %dma_start3A_135 = tpu.memref_slice %arg6[%arg1, %dma_start3A_134] : memref<16x320xi32, #tpu.memory_space<hbm>> -> memref<1x320xi32, #tpu.memory_space<hbm>>
        %dma_start3A_136 = tpu.memref_squeeze %dma_start3A_135 : memref<1x320xi32, #tpu.memory_space<hbm>> -> memref<320xi32, #tpu.memory_space<hbm>>
        tpu.enqueue_dma source(%arg12 : memref<320xi32, #tpu.memory_space<vmem>>) target(%dma_start3A_136 : memref<320xi32, #tpu.memory_space<hbm>>) target_semaphore(%run_scoped3A : memref<!tpu.dma_semaphore, #tpu.memory_space<semaphore_mem>>)
        %dma_wait3A = arith.constant 0 : i32
        %dma_wait3A_137 = tpu.memref_slice %arg6[%arg1, %dma_wait3A] : memref<16x320xi32, #tpu.memory_space<hbm>> -> memref<1x320xi32, #tpu.memory_space<hbm>>
        %dma_wait3A_138 = tpu.memref_squeeze %dma_wait3A_137 : memref<1x320xi32, #tpu.memory_space<hbm>> -> memref<320xi32, #tpu.memory_space<hbm>>
        %dma_wait3A_139 = arith.constant 0 : i32
        %dma_wait3A_140 = tpu.memref_slice %arg6[%arg1, %dma_wait3A_139] : memref<16x320xi32, #tpu.memory_space<hbm>> -> memref<1x320xi32, #tpu.memory_space<hbm>>
        %dma_wait3A_141 = tpu.memref_squeeze %dma_wait3A_140 : memref<1x320xi32, #tpu.memory_space<hbm>> -> memref<320xi32, #tpu.memory_space<hbm>>
        tpu.wait_dma2 semaphore(%run_scoped3A : memref<!tpu.dma_semaphore, #tpu.memory_space<semaphore_mem>>) src(%arg12 : memref<320xi32, #tpu.memory_space<vmem>>) dst(%dma_wait3A_141 : memref<320xi32, #tpu.memory_space<hbm>>)
        tpu.yield
      }) : () -> ()
      "tpu.region"() ({
        %run_scoped3A = tpu.sem_alloc : memref<!tpu.dma_semaphore, #tpu.memory_space<semaphore_mem>>
        %dma_start3A = arith.constant 0 : i32
        %dma_start3A_132 = tpu.memref_slice %arg7[%arg1, %dma_start3A] : memref<16x320xf32, #tpu.memory_space<hbm>> -> memref<1x320xf32, #tpu.memory_space<hbm>>
        %dma_start3A_133 = tpu.memref_squeeze %dma_start3A_132 : memref<1x320xf32, #tpu.memory_space<hbm>> -> memref<320xf32, #tpu.memory_space<hbm>>
        %dma_start3A_134 = arith.constant 0 : i32
        %dma_start3A_135 = tpu.memref_slice %arg7[%arg1, %dma_start3A_134] : memref<16x320xf32, #tpu.memory_space<hbm>> -> memref<1x320xf32, #tpu.memory_space<hbm>>
        %dma_start3A_136 = tpu.memref_squeeze %dma_start3A_135 : memref<1x320xf32, #tpu.memory_space<hbm>> -> memref<320xf32, #tpu.memory_space<hbm>>
        tpu.enqueue_dma source(%arg13 : memref<320xf32, #tpu.memory_space<vmem>>) target(%dma_start3A_136 : memref<320xf32, #tpu.memory_space<hbm>>) target_semaphore(%run_scoped3A : memref<!tpu.dma_semaphore, #tpu.memory_space<semaphore_mem>>)
        %dma_wait3A = arith.constant 0 : i32
        %dma_wait3A_137 = tpu.memref_slice %arg7[%arg1, %dma_wait3A] : memref<16x320xf32, #tpu.memory_space<hbm>> -> memref<1x320xf32, #tpu.memory_space<hbm>>
        %dma_wait3A_138 = tpu.memref_squeeze %dma_wait3A_137 : memref<1x320xf32, #tpu.memory_space<hbm>> -> memref<320xf32, #tpu.memory_space<hbm>>
        %dma_wait3A_139 = arith.constant 0 : i32
        %dma_wait3A_140 = tpu.memref_slice %arg7[%arg1, %dma_wait3A_139] : memref<16x320xf32, #tpu.memory_space<hbm>> -> memref<1x320xf32, #tpu.memory_space<hbm>>
        %dma_wait3A_141 = tpu.memref_squeeze %dma_wait3A_140 : memref<1x320xf32, #tpu.memory_space<hbm>> -> memref<320xf32, #tpu.memory_space<hbm>>
        tpu.wait_dma2 semaphore(%run_scoped3A : memref<!tpu.dma_semaphore, #tpu.memory_space<semaphore_mem>>) src(%arg13 : memref<320xf32, #tpu.memory_space<vmem>>) dst(%dma_wait3A_141 : memref<320xf32, #tpu.memory_space<hbm>>)
        tpu.yield
      }) : () -> ()
    } else {
    }
    return
  }
}

</mosaic_0001>

<sc_bundles>
// kernel: kernel.3.cloned.1.call-start
scs
__scs_entry_jumppad:
0x0: {  	(pc) =	sbr.rel $0x88, $3  }
0x1: {  	(tag) =	ssettag $0x0;
	lr =	simm.s32 $0x1  }
0x2: {  	[smem:$0x3FA0] =	sst lr;
	_ =	strace $0xD0000000  }
0x3: {  	_ = 	snop  }
0x4: {  	_ = 	snop  }
0x5: {  	_ = 	snop  }
0x6: {  	_ = 	snop  }
0x7: {  	_ = 	snop  }
__scs_overlays_trampoline_lowered:
0x8: {  	[smem:$0x3FAF] =	sst s0  }
0x9: {  	[smem:$0x3FB0] =	sst s1  }
0xa: {  	[smem:$0x3FB1] =	sst s2  }
0xb: {  	[smem:$0x3FB2] =	sst s3  }
0xc: {  	[smem:$0x3FB3] =	sst s4  }
0xd: {  	[smem:$0x3FB4] =	sst s5  }
0xe: {  	[smem:$0x3FB5] =	sst s6  }
0xf: {  	[smem:$0x3FB6] =	sst s7  }
0x10: {  	[smem:$0x3FB7] =	sst s8  }
0x11: {  	[smem:$0x3FB8] =	sst s9;
	s0 =	simm.s32 @!p0 $0x0  }
0x12: {  	s1 =	sld [smem:$0x3F9E];
	s0 =	simm.s32 @p0 $0x1  }
0x13: {  	[smem:$0x3FB9] =	sst s0;
	s0 =	simm.s32 @!p1 $0x0  }
0x14: {  	s2 =	sld [smem:$0x3F9D];
	s0 =	simm.s32 @p1 $0x1  }
0x15: {  	[smem:$0x3FBA] =	sst s0;
	s0 =	simm.s32 @!p2 $0x0  }
0x16: {  	s3 =	sld [smem:$0x3FDB];
	s0 =	simm.s32 @p2 $0x1  }
0x17: {  	s4 =	simm.s32 $0x1BF5;
	[smem:$0x3FBC] =	sst s0  }
0x18: {  	s0 =	sld [smem:$0x3F9F];
	_ =	swait.ge [sflag:s4], $0x0  }
0x19: {  	s7 =	sld [smem:$0x3FA0]  }
0x1a: {  	s8 =	sadd.s32 $0xFFFFE003, lr  }
0x1b: {  	s9 =	sadd.s32 $0xFFFFFEF7, lr;
	s5 =	simm.s32 $0xFFFFFFFF;
	p2 =	slt.u32 s8, $0xFFFFF086  }
0x1c: {  	p1 =	slt.u32 s9, $0xF7A;
	s5 =	simm.s32 @!p2 $0x0  }
0x1d: {  	s5 =	simm.s32 @p1 $0x1;
	p0 =	seq.s32 s7, s2  }
0x1e: {  	s7 =	smul.u32 @!p0 $0xF7A, s2;
	p2 =	seq.s32 @!p0 s5, $0x0  }
0x1f: {  	s9 =	smul.u32 $0xF7A, s1;
	s8 =	simm.s32 @!p0 $0x1BF5;
	p2 =	por !p2, p0  }
0x20: {  	[sflag:s8] =	ssyncset.s32 @!p0 $0xFFFFF086;
	s6 =	sadd.s32 @!p0 s3, s7;
	s7 =	simm.s32 @!p0 $0x108  }
0x21: {  	s3 =	sadd.s32 s3, s9;
	s6 =	sadd.s32 @!p0 $0x88, s6;
	s7 =	simm.s32 @p2 $0x1082  }
0x22: {  	[simem:s7], [sflag:s8] =	dma.local @!p0 [hbm:s6], $0xF7A  }
0x23: {  	s9 =	sor.u32 $0xD0000000, s2;
	s6 =	simm.s32 $0x108;
	_ =	swait.ge @!p0 [sflag:s8], $0x0  }
0x24: {  	s3 =	sadd.s32 $0x88, s3;
	s6 =	simm.s32 @!p1 $0x1082;
	[sflag:s4] =	ssyncset.s32 $0xFFFFF086  }
0x25: {  	[simem:s6], [sflag:s4] =	dma.local [hbm:s3], $0xF7A  }
0x26: {  	[smem:$0x3FA0] =	sst s1;
	(tag) =	ssettag s2;
	_ =	strace s9  }
0x27: {  	s1 =	sld [smem:$0x3FB0]  }
0x28: {  	s2 =	sld [smem:$0x3FB1]  }
0x29: {  	s4 =	sld [smem:$0x3FB3]  }
0x2a: {  	p0 =	seq.s32 s5, $0x0;
	s5 =	sld [smem:$0x3FB4]  }
0x2b: {  	s6 =	sld [smem:$0x3FB5]  }
0x2c: {  	s7 =	sld [smem:$0x3FB6]  }
0x2d: {  	s3 =	simm.s32 $0x108;
	s8 =	sld [smem:$0x3FB7]  }
0x2e: {  	s3 =	simm.s32 @!p0 $0x1082;
	s9 =	sld [smem:$0x3FB8]  }
0x2f: {  	lr =	sadd.s32 s0, s3;
	s0 =	sld [smem:$0x3FAF]  }
0x30: {  	s3 =	sld [smem:$0x3FB2]  }
0x31: {  	[smem:$0x3FBB] =	sst s10  }
0x32: {  	s10 =	sld [smem:$0x3FB9];
	_ =	sdelay $0x3  }
0x33: {  	p0 =	seq.s32 s10, $0x1;
	s10 =	sld [smem:$0x3FBB];
	_ =	sdelay $0x3  }
0x34: {  	[smem:$0x3FBB] =	sst s10  }
0x35: {  	s10 =	sld [smem:$0x3FBA];
	_ =	sdelay $0x3  }
0x36: {  	p1 =	seq.s32 s10, $0x1;
	s10 =	sld [smem:$0x3FBB];
	_ =	sdelay $0x3  }
0x37: {  	[smem:$0x3FBB] =	sst s10  }
0x38: {  	s10 =	sld [smem:$0x3FBC]  }
0x39: {  	_ = 	snop;
	(pc) =	sbr.ind lr, $3  }
0x3a: {  	_ = 	snop  }
0x3b: {  	_ = 	snop  }
0x3c: {  	p2 =	seq.s32 s10, $0x1;
	s10 =	sld [smem:$0x3FBB]  }
0x3d: {  	_ =	shalt  }
0x3e: {  	_ =	shalt  }
0x3f: {  	_ =	shalt  }
0x40: {  	_ =	shalt  }
0x41: {  	_ =	shalt  }
0x42: {  	_ =	shalt  }
0x43: {  	_ =	shalt  }
0x44: {  	_ =	shalt  }
0x45: {  	_ =	shalt  }
0x46: {  	_ =	shalt  }
0x47: {  	_ =	shalt  }
0x48: {  	_ =	shalt  }
0x49: {  	_ =	shalt  }
0x4a: {  	_ =	shalt  }
0x4b: {  	_ =	shalt  }
0x4c: {  	_ =	shalt  }
0x4d: {  	_ =	shalt  }
0x4e: {  	_ =	shalt  }
0x4f: {  	_ =	shalt  }
0x50: {  	_ =	shalt  }
0x51: {  	_ =	shalt  }
0x52: {  	_ =	shalt  }
0x53: {  	_ =	shalt  }
0x54: {  	_ =	shalt  }
0x55: {  	_ =	shalt  }
0x56: {  	_ =	shalt  }
0x57: {  	_ =	shalt  }
0x58: {  	_ =	shalt  }
0x59: {  	_ =	shalt  }
0x5a: {  	_ =	shalt  }
0x5b: {  	_ =	shalt  }
0x5c: {  	_ =	shalt  }
0x5d: {  	_ =	shalt  }
0x5e: {  	_ =	shalt  }
0x5f: {  	_ =	shalt  }
0x60: {  	_ =	shalt  }
0x61: {  	_ =	shalt  }
0x62: {  	_ =	shalt  }
0x63: {  	_ =	shalt  }
0x64: {  	_ =	shalt  }
0x65: {  	_ =	shalt  }
0x66: {  	_ =	shalt  }
0x67: {  	_ =	shalt  }
0x68: {  	_ =	shalt  }
0x69: {  	_ =	shalt  }
0x6a: {  	_ =	shalt  }
0x6b: {  	_ =	shalt  }
0x6c: {  	_ =	shalt  }
0x6d: {  	_ =	shalt  }
0x6e: {  	_ =	shalt  }
0x6f: {  	_ =	shalt  }
0x70: {  	_ =	shalt  }
0x71: {  	_ =	shalt  }
0x72: {  	_ =	shalt  }
0x73: {  	_ =	shalt  }
0x74: {  	_ =	shalt  }
0x75: {  	_ =	shalt  }
0x76: {  	_ =	shalt  }
0x77: {  	_ =	shalt  }
0x78: {  	_ =	shalt  }
0x79: {  	_ =	shalt  }
0x7a: {  	_ =	shalt  }
0x7b: {  	_ =	shalt  }
0x7c: {  	_ =	shalt  }
0x7d: {  	_ =	shalt  }
0x7e: {  	_ =	shalt  }
0x7f: {  	_ =	shalt  }
0x80: {  	_ =	shalt  }
0x81: {  	_ =	shalt  }
0x82: {  	_ =	shalt  }
0x83: {  	_ =	shalt  }
0x84: {  	_ =	shalt  }
0x85: {  	_ =	shalt  }
0x86: {  	_ =	shalt  }
0x87: {  	_ =	shalt  }
.Lfunc_end0:
.L_simem_size_0:
called_computation_lowered:
.L_overlay_start_0:
0x88: {  	s0 =	sld [smem:$0x3FD9]  }
0x89: {  	s1 =	sld [smem:$0x3FFE];
	_ =	sdelay $0x3  }
0x8a: {  	s0 =	sadd.s32 s1, s0  }
0x8b: {  	[smem:$0x3FC7] =	sst s0  }
0x8c: {  	_ = 	snop  }
0x8d: {  	s0 =	sld [smem:$0x3FD0];
	_ =	sdelay $0x2  }
0x8e: {  	s2 =	simm.s32 $0xA;
	s3 =	simm.s32 $0x10;
	s13 =	sld [smem:$0x3FC9]  }
0x8f: {  	[smem:s3], [sflag:s2] =	dma.local [hbm:s0], $0x1  }
0x90: {  	_ =	swait.eq [sflag:s2], $0x1  }
0x91: {  	s14 =	sld [smem:$0x10]  }
0x92: {  	s15 =	sld [smem:$0x11];
	[sflag:s2] =	ssyncset.done $0x0  }
0x93: {  	s4 =	sld [smem:$0x12];
	[sflag:s2] =	ssyncadd.s32 $0xFFFFFFFF  }
0x94: {  	s16 =	sld [smem:$0x13];
	(tm) =	ssettm $0x1  }
0x95: {  	s5 =	sld [smem:$0x3FFB];
	_ =	sdelay $0x3  }
0x96: {  	_ =	strace s5  }
0x97: {  	s5 =	sld [smem:$0x3FFC];
	_ =	sdelay $0x3  }
0x98: {  	_ =	strace s5  }
0x99: {  	s5 =	sld [smem:$0x3FFD];
	_ =	sdelay $0x3  }
0x9a: {  	_ =	strace s5  }
0x9b: {  	_ =	strace $0x8FFFFFFF  }
0x9c: {  	s17 =	sld [smem:$0x3FDB];
	_ =	sdelay $0x1  }
0x9d: {  	s6 =	simm.s32 $_scs_section_size  }
0x9e: {  	s7 =	simm.s32 $_size__tile_overlayer_lowered;
	s8 =	simm.s32 $_tile_overlayer_lowered  }
0x9f: {  	s20 =	simm.s32 $0x1BFF;
	s19 =	sshll.u32 s8, $0x1;
	s5 =	sadd.s32 s6, s17  }
0xa0: {  	s9 =	simm.s32 $0x0;
	s18 =	sshll.u32 s7, $0x1;
	s7 =	sadd.s32 s19, s5  }
0xa1: {  	[timem:s9], [sflag:s20] =	dma.local [hbm:s7], s18  }
0xa2: {  	_ =	swait.ge [sflag:s20], s18  }
0xa3: {  	s6 =	ssub.s32 $0x0, s18;
	[sflag:s20] =	ssyncset.done $0x0  }
0xa4: {  	[sflag:s20] =	ssyncadd.s32 s6;
	_ =	sdelay $0x1  }
0xa5: {  	s21 =	simm.s32 $0x1B8B  }
0xa6: {  	_ =	swait.ge [sflag:s21], $0x1  }
0xa7: {  	[sflag:s21] =	ssyncset.done $0x0  }
0xa8: {  	s23 =	simm.s32 $0x1B8E;
	s22 =	sld [smem:$0x3FFE];
	[sflag:s21] =	ssyncadd.s32 $0xFFFFFFFF  }
0xa9: {  	s24 =	simm.s32 $execute0_lowered;
	[smem:$0x3FD2] =	sst s23  }
0xaa: {  	s7 =	sshll.u32 s24, $0x1;
	_ =	strace $0x80000046;
	[dreg:$0x1] =	wrdreg $0xFFFFFFFF  }
0xab: {  	s25 =	simm.s32 $_size_execute0_lowered;
	s5 =	sadd.s32 s5, s7;
	[dreg:$0x0] =	wrdreg $0x0  }
0xac: {  	s7 =	sshll.u32 s25, $0x1;
	[dreg:$0x2] =	wrdreg s5  }
0xad: {  	[dreg:$0x3] =	wrdreg s7  }
0xae: {  	[dreg:$0x4] =	wrdreg $0xC0  }
0xaf: {  	_ =	task [dreg:s9], $0x5FFFF  }
0xb0: {  	[dreg:$0x1] =	wrdreg $0xFFFFFFFF  }
0xb1: {  	[dreg:$0x0] =	wrdreg $0x60  }
0xb2: {  	[dreg:$0x2] =	wrdreg s13  }
0xb3: {  	[dreg:$0x3] =	wrdreg s22  }
0xb4: {  	[dreg:$0x4] =	wrdreg s14  }
0xb5: {  	[dreg:$0x5] =	wrdreg s15  }
0xb6: {  	[dreg:$0x6] =	wrdreg s4  }
0xb7: {  	[dreg:$0x7] =	wrdreg s16  }
0xb8: {  	[dreg:$0x8] =	wrdreg $0x9  }
0xb9: {  	_ =	task.clear_ibuf [dreg:s9], $0x9FFFF;
	_ =	strace $0x90000046  }
0xba: {  	s26 =	simm.s32 $0x9;
	_ =	strace $0x80000048  }
0xbb: {  	_ =	swait.ge [sflag:s26], $0x1  }
0xbc: {  	[sflag:s26] =	ssyncadd.s32 $0xFFFFFFFF  }
0xbd: {  	_ =	strace $0x90000048  }
0xbe: {  	_ =	sfence  }
0xbf: {  	s28 =	sld [smem:$0x0];
	_ =	sdelay $0x1  }
0xc0: {  	s29 =	srdreg.scid  }
0xc1: {  	s30 =	sshll.u32 s29, $0xD;
	s31 =	sshrl.u32 s29, $0x2  }
0xc2: {  	s1 =	sand.u32 $0x1, s29;
	s2 =	sand.u32 $0x4000, s30;
	s0 =	sadd.s32 s31, s28  }
0xc3: {  	s1 =	sor.u32 s2, s1;
	s0 =	sshll.u32 s0, $0x11  }
0xc4: {  	s0 =	sor.u32 s0, s1  }
0xc5: {  	s0 =	sadd.s32 $0x8F2B, s0  }
0xc6: {  	[sflag:s0] =	ssyncadd.remote.s32 $0x1  }
0xc7: {  	_ =	sfence.sel $0xFFFF  }
0xc8: {  	[dreg:$0x0] =	wrdreg $0xFFFFFFFF;
	(pc) =	sbr.abs _section_cstart, $3  }
0xc9: {  	[dreg:$0x1] =	wrdreg $0xFFFFFFFF  }
0xca: {  	_ =	task.clear_ibuf [dreg:s9], $0x2FFFF;
	_ =	strace $0x9FFFFFFF  }
0xcb: {  	(tm) =	ssettm $0x7FFFFFFF  }
tec
execute0_lowered:
.L_overlay_start_1:
0x0: {  	(tag) =	ssettag $0x1  }
0x1: {  	s10 =	rddreg [dreg:$0x0]  }
0x2: {  	s11 =	rddreg [dreg:$0x1]  }
0x3: {  	s5 =	rddreg [dreg:$0x2]  }
0x4: {  	s4 =	rddreg [dreg:$0x3]  }
0x5: {  	s3 =	rddreg [dreg:$0x4];
	s1 =	stileid.u32  }
0x6: {  	s2 =	rddreg [dreg:$0x5];
	s6 =	sshrl.u32 s1, $0x3;
	s7 =	sshll.u32 s1, $0x7  }
0x7: {  	s0 =	rddreg [dreg:$0x6];
	s7 =	sand.u32 $0x380, s7;
	s9 =	sshll.u32 s6, $0xE  }
0x8: {  	s8 =	simm.s32 $0x0;
	s12 =	simm.s32 $0x80;
	s9 =	sor.u32 s7, s9  }
0x9: {  	s13 =	simm.s32 $0x400;
	[smem:$0x7FF] =	sst s8;
	s9 =	sshrl.u32 s9, $0x3  }
0xa: {  	s14 =	simm.s32 $0x1;
	_ =	strace $0x80000047;
	s10 =	sadd.s32 s10, s9  }
0xb: {  	[tilespmem:s8], [sflag:$0x1] =	stream.strided.gather [hbm4b:s10+s12], $0x800, s13, s12, $0x38;
	[tilespmem:$0x1C80] =	vst v63  }
0xc: {  	_ =	swait.ge [sflag:s14], $0x800  }
0xd: {  	s31 =	sadd.s32 s9, s11;
	[sflag:s14] =	ssyncset.done $0x0  }
0xe: {  	s11 =	sadd.s32 $0x1A00, s31;
	s10 =	simm.s32 $0x800;
	[sflag:s14] =	ssyncadd.s32 $0xFFFFF800  }
0xf: {  	[tilespmem:s10], [sflag:$0x1] =	stream.strided.gather [hbm4b:s11+s12], $0x800, s13, s12, $0x38;
	[tilespmem:$0x1C80] =	vst v63  }
0x10: {  	_ =	swait.ge [sflag:s14], $0x800  }
0x11: {  	[sflag:s14] =	ssyncset.done $0x0  }
0x12: {  	v0 =	vimm.s32 $0x0;
	[sflag:s14] =	ssyncadd.s32 $0xFFFFF800  }
0x13: {  	[tilespmem:$0x1800] =	vst v0  }
0x14: {  	v1 =	vimm.f32 $0.0e+00;
	[tilespmem:$0x1980] =	vst v0  }
0x15: {  	[tilespmem:$0x1B00] =	vst v1  }
0x16: {  	[tilespmem:$0x1810] =	vst v0  }
0x17: {  	[tilespmem:$0x1990] =	vst v0  }
0x18: {  	[tilespmem:$0x1B10] =	vst v1  }
0x19: {  	[tilespmem:$0x1820] =	vst v0  }
0x1a: {  	[tilespmem:$0x19A0] =	vst v0  }
0x1b: {  	[tilespmem:$0x1B20] =	vst v1  }
0x1c: {  	[tilespmem:$0x1830] =	vst v0  }
0x1d: {  	[tilespmem:$0x19B0] =	vst v0  }
0x1e: {  	[tilespmem:$0x1B30] =	vst v1  }
0x1f: {  	[tilespmem:$0x1840] =	vst v0  }
0x20: {  	[tilespmem:$0x19C0] =	vst v0  }
0x21: {  	[tilespmem:$0x1B40] =	vst v1  }
0x22: {  	[tilespmem:$0x1850] =	vst v0  }
0x23: {  	[tilespmem:$0x19D0] =	vst v0  }
0x24: {  	[tilespmem:$0x1B50] =	vst v1  }
0x25: {  	[tilespmem:$0x1860] =	vst v0  }
0x26: {  	[tilespmem:$0x19E0] =	vst v0  }
0x27: {  	[tilespmem:$0x1B60] =	vst v1  }
0x28: {  	[tilespmem:$0x1870] =	vst v0  }
0x29: {  	[tilespmem:$0x19F0] =	vst v0  }
0x2a: {  	[tilespmem:$0x1B70] =	vst v1  }
0x2b: {  	[tilespmem:$0x1880] =	vst v0  }
0x2c: {  	[tilespmem:$0x1A00] =	vst v0  }
0x2d: {  	[tilespmem:$0x1B80] =	vst v1  }
0x2e: {  	[tilespmem:$0x1890] =	vst v0  }
0x2f: {  	[tilespmem:$0x1A10] =	vst v0  }
0x30: {  	[tilespmem:$0x1B90] =	vst v1  }
0x31: {  	[tilespmem:$0x18A0] =	vst v0  }
0x32: {  	[tilespmem:$0x1A20] =	vst v0  }
0x33: {  	[tilespmem:$0x1BA0] =	vst v1  }
0x34: {  	[tilespmem:$0x18B0] =	vst v0  }
0x35: {  	[tilespmem:$0x1A30] =	vst v0  }
0x36: {  	[tilespmem:$0x1BB0] =	vst v1  }
0x37: {  	[tilespmem:$0x18C0] =	vst v0  }
0x38: {  	[tilespmem:$0x1A40] =	vst v0  }
0x39: {  	[tilespmem:$0x1BC0] =	vst v1  }
0x3a: {  	[tilespmem:$0x18D0] =	vst v0  }
0x3b: {  	[tilespmem:$0x1A50] =	vst v0  }
0x3c: {  	[tilespmem:$0x1BD0] =	vst v1  }
0x3d: {  	[tilespmem:$0x18E0] =	vst v0  }
0x3e: {  	[tilespmem:$0x1A60] =	vst v0  }
0x3f: {  	[tilespmem:$0x1BE0] =	vst v1  }
0x40: {  	[tilespmem:$0x18F0] =	vst v0  }
0x41: {  	[tilespmem:$0x1A70] =	vst v0  }
0x42: {  	[tilespmem:$0x1BF0] =	vst v1  }
0x43: {  	[tilespmem:$0x1900] =	vst v0  }
0x44: {  	[tilespmem:$0x1A80] =	vst v0  }
0x45: {  	[tilespmem:$0x1C00] =	vst v1  }
0x46: {  	[tilespmem:$0x1910] =	vst v0  }
0x47: {  	[tilespmem:$0x1A90] =	vst v0  }
0x48: {  	[tilespmem:$0x1C10] =	vst v1  }
0x49: {  	[tilespmem:$0x1920] =	vst v0  }
0x4a: {  	[tilespmem:$0x1AA0] =	vst v0  }
0x4b: {  	[tilespmem:$0x1C20] =	vst v1  }
0x4c: {  	[tilespmem:$0x1930] =	vst v0  }
0x4d: {  	[tilespmem:$0x1AB0] =	vst v0  }
0x4e: {  	[tilespmem:$0x1C30] =	vst v1  }
0x4f: {  	v4 =	vld [tilespmem:s8+$0x0]  }
0x50: {  	v2 =	vld [tilespmem:s10+$0x0];
	_ =	sdelay $0x4  }
0x51: {  	vm0 =	vne.s32 v2, $0xFFFFFFFF;
	vm1 =	vne.s32 v4, $0x0  }
0x52: {  	vm0 =	vmand vm1, vm0  }
0x53: {  	v1 =	vsel vm0, $0x1, v0  }
0x54: {  	(xrf0) =	vadd.scan.msk.s32 $0xffff, v1;
	_ =	sdelay $0x5  }
0x55: {  	v1, _, _ =	vpop (xrf0)  }
0x56: {  	v5 =	vadd.s32 s8, v1  }
0x57: {  	vm1 =	vlt.s32 v5, $0x141;
	(v2sf) =	vpush v5, $0xF  }
0x58: {  	vm0 =	vmand vm0, vm1  }
0x59: {  	v3 =	vadd.s32 $0xFFFFFFFF, v5  }
0x5a: {  	vm1 =	vgt.s32 v2, $0xFFFFFFFF  }
0x5b: {  	vm1 =	vmand vm1, vm0  }
0x5c: {  	s11 =	simm.s32 $0x1000;
	v1 =	vlaneseq.u32;
	v2 =	vsel vm1, v2, v4  }
0x5d: {  	s12 =	simm.s32 $0x1800;
	[tilespmem:s11+$0x0] =	vst v2;
	v2 =	vor.u32 s8, v1  }
0x5e: {  	s13 =	simm.s32 $0x1980;
	[tilespmem:v3+s12+$0x0] =	vst.idx.msk vm0, v2  }
0x5f: {  	s15 =	simm.s32 $0x10;
	s14 =	simm.s32 $0x1B00;
	v2 =	vimm.f32 $1.000000000e+00;
	[tilespmem:v3+s13+$0x0] =	vst.idx.msk vm0, v4  }
.LBB2_1:
0x60: {  	[tilespmem:v3+s14+$0x0] =	vst.idx.msk vm0, v2;
	s8 =	sadd.s32 $0x10, s8;
	s10 =	sadd.s32 $0x10, s10;
	s11 =	sadd.s32 $0x10, s11  }
0x61: {  	p0 =	sne.s32 s15, $0x7F0;
	s16 =	smov.u32 s15;
	s15 =	sadd.s32 $0x10, s15;
	v4 =	vld [tilespmem:s8+$0x0]  }
0x62: {  	v5 =	vld [tilespmem:s10+$0x0];
	_ =	sdelay $0x3  }
0x63: {  	s17 =	spop (v2sf)  }
0x64: {  	vm1 =	vne.s32 v4, $0x0;
	vm0 =	vne.s32 v5, $0xFFFFFFFF  }
0x65: {  	vm0 =	vmand vm1, vm0  }
0x66: {  	v3 =	vsel vm0, $0x1, v0  }
0x67: {  	(xrf0) =	vadd.scan.msk.s32 $0xffff, v3;
	_ =	sdelay $0x5  }
0x68: {  	v3, _, _ =	vpop (xrf0)  }
0x69: {  	v3 =	vadd.s32 s17, v3  }
0x6a: {  	vm1 =	vlt.s32 v3, $0x141;
	(v2sf) =	vpush v3, $0xF  }
0x6b: {  	vm0 =	vmand vm0, vm1;
	vm1 =	vgt.s32 v5, $0xFFFFFFFF  }
0x6c: {  	v3 =	vadd.s32 $0xFFFFFFFF, v3;
	vm1 =	vmand vm1, vm0  }
0x6d: {  	v5 =	vsel vm1, v5, v4  }
.Ltmp0:
0x6e: {  	(pc) =	sbr.rel @p0 .LBB2_1-.Ltmp0, $4  }
0x6f: {  	_ = 	snop  }
0x70: {  	[tilespmem:s11+$0x0] =	vst v5;
	v5 =	vor.u32 s16, v1  }
0x71: {  	[tilespmem:v3+s12+$0x0] =	vst.idx.msk vm0, v5  }
0x72: {  	[tilespmem:v3+s13+$0x0] =	vst.idx.msk vm0, v4  }
0x73: {  	_ =	sdelay $0x3  }
0x74: {  	s5 =	sadd.s32 s5, s9;
	s8 =	simm.s32 $0x80  }
0x75: {  	[tilespmem:v3+s14+$0x0] =	vst.idx.msk vm0, v2;
	s25 =	simm.s32 $0x400;
	s10 =	simm.s32 $0x1000;
	s26 =	smul.u32 $0xC00, s6  }
0x76: {  	[hbm4b:s5+s8] =	stream.strided.scatter [tilespmem:s10], [sflag:$0x1], $0x800, s25, s8, $0x38;
	[tilespmem:$0x1C80] =	vst v63  }
0x77: {  	s6 =	simm.s32 $0x1;
	s28 =	spop (v2sf)  }
0x78: {  	s5 =	sor.u32 s7, s26;
	_ =	swait.ge [sflag:s6], $0x800  }
0x79: {  	s5 =	sshrl.u32 s5, $0x3;
	[sflag:s6] =	ssyncset.done $0x0  }
0x7a: {  	s29 =	simm.s32 $0x1800;
	s4 =	sadd.s32 s4, s5;
	[sflag:s6] =	ssyncadd.s32 $0xFFFFF800  }
0x7b: {  	[hbm4b:s4+s8] =	stream.strided.scatter [tilespmem:s29], [sflag:$0x1], $0x180, s25, s8, $0x38;
	[tilespmem:$0x1C80] =	vst v63  }
0x7c: {  	_ =	swait.ge [sflag:s6], $0x180  }
0x7d: {  	[sflag:s6] =	ssyncset.done $0x0  }
0x7e: {  	s30 =	simm.s32 $0x1980;
	s3 =	sadd.s32 s3, s5;
	[sflag:s6] =	ssyncadd.s32 $0xFFFFFE80  }
0x7f: {  	[hbm4b:s3+s8] =	stream.strided.scatter [tilespmem:s30], [sflag:$0x1], $0x180, s25, s8, $0x38;
	[tilespmem:$0x1C80] =	vst v63  }
0x80: {  	_ =	swait.ge [sflag:s6], $0x180  }
0x81: {  	[sflag:s6] =	ssyncset.done $0x0  }
0x82: {  	s31 =	simm.s32 $0x1B00;
	s2 =	sadd.s32 s2, s5;
	[sflag:s6] =	ssyncadd.s32 $0xFFFFFE80  }
0x83: {  	[hbm4b:s2+s8] =	stream.strided.scatter [tilespmem:s31], [sflag:$0x1], $0x180, s25, s8, $0x38;
	[tilespmem:$0x1C80] =	vst v63  }
0x84: {  	_ =	swait.ge [sflag:s6], $0x180  }
0x85: {  	[sflag:s6] =	ssyncset.done $0x0  }
0x86: {  	[sflag:s6] =	ssyncadd.s32 $0xFFFFFE80  }
0x87: {  	_ =	sfence.sel $0x180000  }
0x88: {  	[bflag:$0x0] =	sbarrier.arrive $0xFFFF  }
0x89: {  	p0 =	sne.s32 s1, $0x0;
	_ =	strace $0x90000047  }
0x8a: {  	s0 =	sadd.s32 @!p0 $0x100000, s0;
	[bflag:$0x2] =	sbarrier.arrive $0xFFFF  }
0x8b: {  	[sflag:s0] =	ssyncadd.tile.s32 @!p0 $0x1;
	_ =	shalt  }
.Lfunc_end2:
_tile_overlayer_lowered:
.L_overlay_start_2:
0x8c: {  	(tag) =	ssettag $0x2  }
0x8d: {  	s0 =	rddreg [dreg:$0x0];
	s2 =	stileid.u32  }
0x8e: {  	s1 =	rddreg [dreg:$0x1];
	p0 =	sne.s32 s2, $0x0  }
0x8f: {  	s3 =	rddreg [dreg:$0x2];
	[bflag:$0x3] =	sbarrier.arrive $0xFFFF;
	s2 =	simm.s32 @!p0 $0x1C01  }
0x90: {  	[timem:s3], [sflag:s2] =	dma.local @!p0 [hbm:s0], s1  }
0x91: {  	s0 =	simm.s32 @!p0 $0x1  }
0x92: {  	_ =	swait.ge @!p0 [sflag:s0], s1  }
0x93: {  	s1 =	ssub.s32 @!p0 $0x0, s1;
	[sflag:s0] =	ssyncset.done @!p0 $0x0  }
0x94: {  	[sflag:s0] =	ssyncadd.s32 @!p0 s1  }
0x95: {  	[bflag:$0x3] =	sbarrier.arrive $0xFFFF  }
0x96: {  	_ =	shalt  }

</sc_bundles>
